<compile_context>
chip_gen: v7x
topology: tpu7x:2x2x1
jax: 0.10.2.dev20260603
libtpu: 0.0.44.dev20260713+nightly
codegen_flags: <defaults>
</compile_context>

<pallas_src>
import functools

import jax
import jax.numpy as jnp
from jax import lax
from jax.experimental import pallas as pl
from jax.experimental.pallas import tpu as pltpu
from jax.experimental.pallas import tpu_sc as plsc

BATCH = 16384
NUM_FINE = 100
FINE_PAD = 112
HIST_W = 2 * FINE_PAD
NUM_SUPER_PAD = 32
NW = 32
CHUNK = BATCH // NW
L = 16
MARGIN = 0.3


def _acosh16(x):
    one = jnp.float32(1.0)
    x = jnp.maximum(x, jnp.float32(1.001))
    u = x * x - one
    ui = lax.bitcast_convert_type(u, jnp.int32)
    r = lax.bitcast_convert_type(jnp.int32(0x5F3759DF) - (ui >> 1), jnp.float32)
    half_u = jnp.float32(0.5) * u
    for _ in range(3):
        r = r * (jnp.float32(1.5) - half_u * r * r)
    t = x + u * r
    ti = lax.bitcast_convert_type(t, jnp.int32)
    e = ((ti >> 23) & jnp.int32(255)) - jnp.int32(127)
    m = lax.bitcast_convert_type(
        (ti & jnp.int32(0x007FFFFF)) | jnp.int32(0x3F800000), jnp.float32)
    q = (m - one) / (m + one)
    z = q * q
    p = jnp.float32(2.0) * q * (
        one + z * (jnp.float32(1.0 / 3.0) + z * (jnp.float32(0.2) + z * (
            jnp.float32(1.0 / 7.0) + z * jnp.float32(1.0 / 9.0)))))
    return e.astype(jnp.float32) * jnp.float32(0.6931471805599453) + p


def _sc_partials(x, y):
    mesh = plsc.VectorSubcoreMesh(core_axis_name="c", subcore_axis_name="s")

    @functools.partial(
        pl.kernel,
        out_type=jax.ShapeDtypeStruct((NW, HIST_W), jnp.float32),
        mesh=mesh,
        scratch_types=[
            pltpu.VMEM((CHUNK,), jnp.float32),
            pltpu.VMEM((CHUNK,), jnp.int32),
            pltpu.VMEM((HIST_W,), jnp.float32),
            pltpu.SemaphoreType.DMA,
            pltpu.SemaphoreType.DMA,
        ],
        compiler_params=pltpu.CompilerParams(needs_layout_passes=False),
    )
    def body(x_hbm, y_hbm, out_hbm, x_v, y_v, hist_v, sem1, sem2):
        cid = lax.axis_index("c")
        sid = lax.axis_index("s")
        wid = sid * 2 + cid
        base = wid * CHUNK
        cp1 = pltpu.async_copy(x_hbm.at[pl.ds(base, CHUNK)], x_v, sem1)
        cp2 = pltpu.async_copy(y_hbm.at[pl.ds(base, CHUNK)], y_v, sem2)

        zeros = jnp.zeros((L,), jnp.float32)

        def zero_body(k, _):
            hist_v[pl.ds(k * L, L)] = zeros
            return _

        lax.fori_loop(0, HIST_W // L, zero_body, None)
        cp1.wait()
        cp2.wait()

        ones = jnp.ones((L,), jnp.float32)

        def main_body(i, _):
            b = i * L
            xv = x_v[pl.ds(b, L)]
            lbl = y_v[pl.ds(b, L)]
            d = _acosh16(xv)
            plsc.addupdate_scatter(hist_v, [lbl], d)
            plsc.addupdate_scatter(hist_v, [lbl + jnp.int32(FINE_PAD)], ones)
            return _

        lax.fori_loop(0, CHUNK // L, main_body, None)

        pltpu.sync_copy(hist_v, out_hbm.at[wid])

    return body(x, y)


def _tc_body(p_ref, lut_ref, o_ref):
    tot = jnp.sum(p_ref[...], axis=0, keepdims=True)
    fine_sum = tot[:, :NUM_FINE]
    fine_count = tot[:, FINE_PAD:FINE_PAD + NUM_FINE]
    fine_mean = fine_sum / jnp.maximum(fine_count, 1.0)
    mask_fine = (fine_count > 0).astype(jnp.float32)
    stacked = jnp.concatenate(
        [fine_sum, fine_count, fine_mean * mask_fine, mask_fine], axis=0)
    onehot_t = (lut_ref[...] == lax.broadcasted_iota(
        jnp.int32, (NUM_SUPER_PAD, NUM_FINE), 0)).astype(jnp.float32)
    seg = jax.lax.dot_general(
        stacked, onehot_t, (((1,), (1,)), ((), ())),
        preferred_element_type=jnp.float32)
    super_sum = seg[0:1]
    super_count = seg[1:2]
    fms_sum = seg[2:3]
    fcs = seg[3:4]
    super_mean = super_sum / jnp.maximum(super_count, 1.0)
    fine_mean_per_super = fms_sum / jnp.maximum(fcs, 1.0)
    mask = ((super_count > 0) & (fcs > 0)).astype(jnp.float32)
    hinge = jnp.maximum(super_mean - fine_mean_per_super + MARGIN, 0.0) ** 2
    msum = jnp.sum(mask)
    loss = jnp.where(msum > 0,
                     jnp.sum(hinge * mask) / jnp.maximum(msum, 1.0), 0.0)
    o_ref[...] = jnp.reshape(loss, (1, 1))


def kernel(cls_time, y, fine_to_super_lut):
    x = cls_time.reshape(-1)
    partials = _sc_partials(x, y)
    loss = pl.pallas_call(
        _tc_body,
        out_shape=jax.ShapeDtypeStruct((1, 1), jnp.float32),
    )(partials, fine_to_super_lut.reshape(1, NUM_FINE))
    return loss[0, 0]

# --- scband reference (transcript-rebuilt; emitter-appended) ---
"""Pipeline reference for scband-hyperbolic-hierarchy-loss-19619410608209 (READ-ONLY COPY).

The authoritative reference and input builder live on the scoring server;
editing this copy changes nothing except your own understanding.
"""

import jax, jax.numpy as jnp
import numpy as np

NUM_FINE = 100
NUM_SUPER = 20
K = 1.0
SQRT_K = K ** 0.5
MARGIN = 0.3
BATCH = 16384


def setup_inputs(seed: int = 0) -> dict:
    key = jax.random.key(seed)
    k1, k2 = jax.random.split(key)
    # cls_time is the CLS-token Lorentz time coordinate; valid hyperboloid points have
    # time_coord/sqrt(K) >= 1, so we sample uniform in [1.1, 5.0) to avoid the clamp floor.
    cls_time = jax.random.uniform(k1, (BATCH, 1), dtype=jnp.float32, minval=1.1, maxval=5.0)
    y = jax.random.randint(k2, (BATCH,), 0, NUM_FINE, dtype=jnp.int32)
    # CIFAR-100 fine->super lookup table (20 superclasses, 5 fine classes each)
    fine_to_super_lut = jnp.arange(NUM_FINE, dtype=jnp.int32) // 5
    return {"cls_time": cls_time, "y": y, "fine_to_super_lut": fine_to_super_lut}


def reference(cls_time, y, fine_to_super_lut):
    # depth on Lorentz hyperboloid: sqrt(K) * acosh(x0 / sqrt(K)) (clamped like torch clamp_min(1.001))
    depths = SQRT_K * jnp.arccosh(jnp.clip(cls_time / SQRT_K, 1.0 + 0.001, None))
    depths = depths.reshape(-1)
    super_labels = jnp.take(fine_to_super_lut, y, axis=0)
    ones = jnp.ones_like(depths)

    super_sum = jax.ops.segment_sum(depths, super_labels, num_segments=NUM_SUPER)
    fine_sum = jax.ops.segment_sum(depths, y, num_segments=NUM_FINE)
    super_count = jax.ops.segment_sum(ones, super_labels, num_segments=NUM_SUPER)
    fine_count = jax.ops.segment_sum(ones, y, num_segments=NUM_FINE)

    super_mean = super_sum / jnp.maximum(super_count, 1.0)
    fine_mean = fine_sum / jnp.maximum(fine_count, 1.0)

    # EMA centroid buffers in the torch module are updated under no_grad and do not
    # affect the returned loss, so they are omitted here.

    mask_fine = fine_count > 0
    # vectorized equivalent of scatter_add over observed fine classes
    fms_sum = jax.ops.segment_sum(jnp.where(mask_fine, fine_mean, 0.0), fine_to_super_lut, num_segments=NUM_SUPER)
    fine_classes_per_super = jax.ops.segment_sum(mask_fine.astype(jnp.float32), fine_to_super_lut, num_segments=NUM_SUPER)
    fine_mean_per_super = fms_sum / jnp.maximum(fine_classes_per_super, 1.0)

    mask = (super_count > 0) & (fine_classes_per_super > 0)
    hinge = jnp.maximum(super_mean - fine_mean_per_super + MARGIN, 0.0) ** 2
    denom = jnp.maximum(mask.sum().astype(jnp.float32), 1.0)
    loss = jnp.where(mask.any(), (hinge * mask.astype(jnp.float32)).sum() / denom, 0.0)
    return loss

if __name__ == "__main__":
    import jax
    _d = setup_inputs()
    print(jax.jit(kernel)(*tuple(_d.values())))

</pallas_src>

<mosaic_0001>
#map = affine_map<(d0, d1) -> (0)>
#map1 = affine_map<(d0, d1) -> (0, 0)>
module attributes {stable_mosaic.version = 14 : i64} {
  func.func @body(%arg0: i32, %arg1: i32, %arg2: memref<16384xf32, #tpu.memory_space<hbm>>, %arg3: memref<16384xi32, #tpu.memory_space<hbm>>, %arg4: memref<32x224xf32, #tpu.memory_space<hbm>>, %arg5: memref<512xf32, #tpu.memory_space<vmem>>, %arg6: memref<512xi32, #tpu.memory_space<vmem>>, %arg7: memref<224xf32, #tpu.memory_space<vmem>>, %arg8: memref<!tpu.dma_semaphore, #tpu.memory_space<semaphore_mem>>, %arg9: memref<!tpu.dma_semaphore, #tpu.memory_space<semaphore_mem>>) attributes {dimension_semantics = [#tpu.dimension_semantics<core_parallel>, #tpu.dimension_semantics<subcore_parallel>], iteration_bounds = array<i64: 2, 16>, scalar_prefetch = 0 : i64, scratch_operands = 5 : i64, tpu.core_type = #tpu.core_type<sc_vector_subcore>, window_params = [{transform_indices = #map}, {transform_indices = #map}, {transform_indices = #map1}]} {
    %mul3A = arith.constant 2 : i32
    %mul3A_0 = arith.muli %arg1, %mul3A : i32
    %add3A = arith.addi %mul3A_0, %arg0 : i32
    %mul3A_1 = arith.constant 512 : i32
    %mul3A_2 = arith.muli %add3A, %mul3A_1 : i32
    %dma_start3A = tpu.memref_slice %arg2[%mul3A_2] : memref<16384xf32, #tpu.memory_space<hbm>> -> memref<512xf32, #tpu.memory_space<hbm>>
    %dma_start3A_3 = tpu.memref_slice %arg2[%mul3A_2] : memref<16384xf32, #tpu.memory_space<hbm>> -> memref<512xf32, #tpu.memory_space<hbm>>
    tpu.enqueue_dma source(%dma_start3A_3 : memref<512xf32, #tpu.memory_space<hbm>>) target(%arg5 : memref<512xf32, #tpu.memory_space<vmem>>) target_semaphore(%arg8 : memref<!tpu.dma_semaphore, #tpu.memory_space<semaphore_mem>>)
    %dma_start3A_4 = tpu.memref_slice %arg3[%mul3A_2] : memref<16384xi32, #tpu.memory_space<hbm>> -> memref<512xi32, #tpu.memory_space<hbm>>
    %dma_start3A_5 = tpu.memref_slice %arg3[%mul3A_2] : memref<16384xi32, #tpu.memory_space<hbm>> -> memref<512xi32, #tpu.memory_space<hbm>>
    tpu.enqueue_dma source(%dma_start3A_5 : memref<512xi32, #tpu.memory_space<hbm>>) target(%arg6 : memref<512xi32, #tpu.memory_space<vmem>>) target_semaphore(%arg9 : memref<!tpu.dma_semaphore, #tpu.memory_space<semaphore_mem>>)
    %broadcast_in_dim3A = arith.constant 0.000000e+00 : f32
    %broadcast_in_dim3A_6 = vector.broadcast %broadcast_in_dim3A : f32 to vector<16xf32>
    %scan3A = arith.constant 0 : i32
    %scan3A_7 = arith.constant 14 : i32
    %scan3A_8 = arith.addi %scan3A, %scan3A_7 : i32
    %scan3A_9 = arith.constant 1 : i32
    scf.for %scan3A_21 = %scan3A to %scan3A_8 step %scan3A_9  : i32 {
      %mul3A_22 = arith.constant 16 : i32
      %mul3A_23 = arith.muli %scan3A_21, %mul3A_22 : i32
      %swap3A = arith.index_cast %mul3A_23 : i32 to index
      %swap3A_24 = tpu.vector_load %arg7[%swap3A] {strides = array<i32>} : memref<224xf32, #tpu.memory_space<vmem>>, vector<16xf32>,
      tpu.vector_store %arg7[%swap3A], %broadcast_in_dim3A_6 {strides = array<i32>} : memref<224xf32, #tpu.memory_space<vmem>>, vector<16xf32>,
    }
    %scan3A_10 = arith.constant 14 : i32
    %dma_wait3A = tpu.memref_slice %arg2[%mul3A_2] : memref<16384xf32, #tpu.memory_space<hbm>> -> memref<512xf32, #tpu.memory_space<hbm>>
    %dma_wait3A_11 = tpu.memref_slice %arg2[%mul3A_2] : memref<16384xf32, #tpu.memory_space<hbm>> -> memref<512xf32, #tpu.memory_space<hbm>>
    tpu.wait_dma2 semaphore(%arg8 : memref<!tpu.dma_semaphore, #tpu.memory_space<semaphore_mem>>) src(%dma_wait3A_11 : memref<512xf32, #tpu.memory_space<hbm>>) dst(%arg5 : memref<512xf32, #tpu.memory_space<vmem>>)
    %dma_wait3A_12 = tpu.memref_slice %arg3[%mul3A_2] : memref<16384xi32, #tpu.memory_space<hbm>> -> memref<512xi32, #tpu.memory_space<hbm>>
    %dma_wait3A_13 = tpu.memref_slice %arg3[%mul3A_2] : memref<16384xi32, #tpu.memory_space<hbm>> -> memref<512xi32, #tpu.memory_space<hbm>>
    tpu.wait_dma2 semaphore(%arg9 : memref<!tpu.dma_semaphore, #tpu.memory_space<semaphore_mem>>) src(%dma_wait3A_13 : memref<512xi32, #tpu.memory_space<hbm>>) dst(%arg6 : memref<512xi32, #tpu.memory_space<vmem>>)
    %broadcast_in_dim3A_14 = arith.constant 1.000000e+00 : f32
    %broadcast_in_dim3A_15 = vector.broadcast %broadcast_in_dim3A_14 : f32 to vector<16xf32>
    %scan3A_16 = arith.constant 0 : i32
    %scan3A_17 = arith.constant 32 : i32
    %scan3A_18 = arith.addi %scan3A_16, %scan3A_17 : i32
    %scan3A_19 = arith.constant 1 : i32
    scf.for %scan3A_21 = %scan3A_16 to %scan3A_18 step %scan3A_19  : i32 {
      %mul3A_22 = arith.constant 16 : i32
      %mul3A_23 = arith.muli %scan3A_21, %mul3A_22 : i32
      %get3A = arith.index_cast %mul3A_23 : i32 to index
      %get3A_24 = tpu.vector_load %arg5[%get3A] {strides = array<i32>} : memref<512xf32, #tpu.memory_space<vmem>>, vector<16xf32>,
      %get3A_25 = arith.index_cast %mul3A_23 : i32 to index
      %get3A_26 = tpu.vector_load %arg6[%get3A_25] {strides = array<i32>} : memref<512xi32, #tpu.memory_space<vmem>>, vector<16xi32>,
      %max3A = arith.constant 1.001000e+00 : f32
      %max3A_27 = vector.broadcast %max3A : f32 to vector<16xf32>
      %max3A_28 = arith.maximumf %get3A_24, %max3A_27 : vector<16xf32>
      %mul3A_29 = arith.mulf %max3A_28, %max3A_28 : vector<16xf32>
      %sub3A = arith.constant 1.000000e+00 : f32
      %sub3A_30 = vector.broadcast %sub3A : f32 to vector<16xf32>
      %sub3A_31 = arith.subf %mul3A_29, %sub3A_30 : vector<16xf32>
      %bitcast_convert_type3A = tpu.bitcast %sub3A_31 : vector<16xf32> -> vector<16xi32>
      %shift_right_arithmetic3A = arith.constant 1 : i32
      %shift_right_arithmetic3A_32 = vector.broadcast %shift_right_arithmetic3A : i32 to vector<16xi32>
      %shift_right_arithmetic3A_33 = arith.shrsi %bitcast_convert_type3A, %shift_right_arithmetic3A_32 : vector<16xi32>
      %sub3A_34 = arith.constant 1597463007 : i32
      %sub3A_35 = vector.broadcast %sub3A_34 : i32 to vector<16xi32>
      %sub3A_36 = arith.subi %sub3A_35, %shift_right_arithmetic3A_33 : vector<16xi32>
      %bitcast_convert_type3A_37 = tpu.bitcast %sub3A_36 : vector<16xi32> -> vector<16xf32>
      %mul3A_38 = arith.constant 5.000000e-01 : f32
      %mul3A_39 = vector.broadcast %mul3A_38 : f32 to vector<16xf32>
      %mul3A_40 = arith.mulf %mul3A_39, %sub3A_31 : vector<16xf32>
      %mul3A_41 = arith.mulf %mul3A_40, %bitcast_convert_type3A_37 : vector<16xf32>
      %mul3A_42 = arith.mulf %mul3A_41, %bitcast_convert_type3A_37 : vector<16xf32>
      %sub3A_43 = arith.constant 1.500000e+00 : f32
      %sub3A_44 = vector.broadcast %sub3A_43 : f32 to vector<16xf32>
      %sub3A_45 = arith.subf %sub3A_44, %mul3A_42 : vector<16xf32>
      %mul3A_46 = arith.mulf %bitcast_convert_type3A_37, %sub3A_45 : vector<16xf32>
      %mul3A_47 = arith.mulf %mul3A_40, %mul3A_46 : vector<16xf32>
      %mul3A_48 = arith.mulf %mul3A_47, %mul3A_46 : vector<16xf32>
      %sub3A_49 = arith.constant 1.500000e+00 : f32
      %sub3A_50 = vector.broadcast %sub3A_49 : f32 to vector<16xf32>
      %sub3A_51 = arith.subf %sub3A_50, %mul3A_48 : vector<16xf32>
      %mul3A_52 = arith.mulf %mul3A_46, %sub3A_51 : vector<16xf32>
      %mul3A_53 = arith.mulf %mul3A_40, %mul3A_52 : vector<16xf32>
      %mul3A_54 = arith.mulf %mul3A_53, %mul3A_52 : vector<16xf32>
      %sub3A_55 = arith.constant 1.500000e+00 : f32
      %sub3A_56 = vector.broadcast %sub3A_55 : f32 to vector<16xf32>
      %sub3A_57 = arith.subf %sub3A_56, %mul3A_54 : vector<16xf32>
      %mul3A_58 = arith.mulf %mul3A_52, %sub3A_57 : vector<16xf32>
      %mul3A_59 = arith.mulf %sub3A_31, %mul3A_58 : vector<16xf32>
      %add3A_60 = arith.addf %max3A_28, %mul3A_59 : vector<16xf32>
      %bitcast_convert_type3A_61 = tpu.bitcast %add3A_60 : vector<16xf32> -> vector<16xi32>
      %shift_right_arithmetic3A_62 = arith.constant 23 : i32
      %shift_right_arithmetic3A_63 = vector.broadcast %shift_right_arithmetic3A_62 : i32 to vector<16xi32>
      %shift_right_arithmetic3A_64 = arith.shrsi %bitcast_convert_type3A_61, %shift_right_arithmetic3A_63 : vector<16xi32>
      %and3A = arith.constant 255 : i32
      %and3A_65 = vector.broadcast %and3A : i32 to vector<16xi32>
      %and3A_66 = arith.andi %shift_right_arithmetic3A_64, %and3A_65 : vector<16xi32>
      %sub3A_67 = arith.constant 127 : i32
      %sub3A_68 = vector.broadcast %sub3A_67 : i32 to vector<16xi32>
      %sub3A_69 = arith.subi %and3A_66, %sub3A_68 : vector<16xi32>
      %and3A_70 = arith.constant 8388607 : i32
      %and3A_71 = vector.broadcast %and3A_70 : i32 to vector<16xi32>
      %and3A_72 = arith.andi %bitcast_convert_type3A_61, %and3A_71 : vector<16xi32>
      %or3A = arith.constant 1065353216 : i32
      %or3A_73 = vector.broadcast %or3A : i32 to vector<16xi32>
      %or3A_74 = arith.ori %and3A_72, %or3A_73 : vector<16xi32>
      %bitcast_convert_type3A_75 = tpu.bitcast %or3A_74 : vector<16xi32> -> vector<16xf32>
      %sub3A_76 = arith.constant 1.000000e+00 : f32
      %sub3A_77 = vector.broadcast %sub3A_76 : f32 to vector<16xf32>
      %sub3A_78 = arith.subf %bitcast_convert_type3A_75, %sub3A_77 : vector<16xf32>
      %add3A_79 = arith.constant 1.000000e+00 : f32
      %add3A_80 = vector.broadcast %add3A_79 : f32 to vector<16xf32>
      %add3A_81 = arith.addf %bitcast_convert_type3A_75, %add3A_80 : vector<16xf32>
      %div3A = arith.divf %sub3A_78, %add3A_81 : vector<16xf32>
      %mul3A_82 = arith.mulf %div3A, %div3A : vector<16xf32>
      %mul3A_83 = arith.constant 2.000000e+00 : f32
      %mul3A_84 = vector.broadcast %mul3A_83 : f32 to vector<16xf32>
      %mul3A_85 = arith.mulf %mul3A_84, %div3A : vector<16xf32>
      %mul3A_86 = arith.constant 0.111111112 : f32
      %mul3A_87 = vector.broadcast %mul3A_86 : f32 to vector<16xf32>
      %mul3A_88 = arith.mulf %mul3A_82, %mul3A_87 : vector<16xf32>
      %add3A_89 = arith.constant 0.142857149 : f32
      %add3A_90 = vector.broadcast %add3A_89 : f32 to vector<16xf32>
      %add3A_91 = arith.addf %add3A_90, %mul3A_88 : vector<16xf32>
      %mul3A_92 = arith.mulf %mul3A_82, %add3A_91 : vector<16xf32>
      %add3A_93 = arith.constant 2.000000e-01 : f32
      %add3A_94 = vector.broadcast %add3A_93 : f32 to vector<16xf32>
      %add3A_95 = arith.addf %add3A_94, %mul3A_92 : vector<16xf32>
      %mul3A_96 = arith.mulf %mul3A_82, %add3A_95 : vector<16xf32>
      %add3A_97 = arith.constant 0.333333343 : f32
      %add3A_98 = vector.broadcast %add3A_97 : f32 to vector<16xf32>
      %add3A_99 = arith.addf %add3A_98, %mul3A_96 : vector<16xf32>
      %mul3A_100 = arith.mulf %mul3A_82, %add3A_99 : vector<16xf32>
      %add3A_101 = arith.constant 1.000000e+00 : f32
      %add3A_102 = vector.broadcast %add3A_101 : f32 to vector<16xf32>
      %add3A_103 = arith.addf %add3A_102, %mul3A_100 : vector<16xf32>
      %mul3A_104 = arith.mulf %mul3A_85, %add3A_103 : vector<16xf32>
      %convert_element_type3A = arith.sitofp %sub3A_69 : vector<16xi32> to vector<16xf32>
      %mul3A_105 = arith.constant 0.693147182 : f32
      %mul3A_106 = vector.broadcast %mul3A_105 : f32 to vector<16xf32>
      %mul3A_107 = arith.mulf %convert_element_type3A, %mul3A_106 : vector<16xf32>
      %add3A_108 = arith.addf %mul3A_107, %mul3A_104 : vector<16xf32>
      tpu.vector_store_idx %arg7[%get3A_26], %add3A_108 {add = true} : memref<224xf32, #tpu.memory_space<vmem>>[vector<16xi32>], vector<16xf32>,
      %add3A_109 = arith.constant 112 : i32
      %add3A_110 = vector.broadcast %add3A_109 : i32 to vector<16xi32>
      %add3A_111 = arith.addi %get3A_26, %add3A_110 : vector<16xi32>
      tpu.vector_store_idx %arg7[%add3A_111], %broadcast_in_dim3A_15 {add = true} : memref<224xf32, #tpu.memory_space<vmem>>[vector<16xi32>], vector<16xf32>,
    }
    %scan3A_20 = arith.constant 32 : i32
    "tpu.region"() ({
      %run_scoped3A = tpu.sem_alloc : memref<!tpu.dma_semaphore, #tpu.memory_space<semaphore_mem>>
      %dma_start3A_21 = arith.constant 0 : i32
      %dma_start3A_22 = tpu.memref_slice %arg4[%add3A, %dma_start3A_21] : memref<32x224xf32, #tpu.memory_space<hbm>> -> memref<1x224xf32, #tpu.memory_space<hbm>>
      %dma_start3A_23 = tpu.memref_squeeze %dma_start3A_22 : memref<1x224xf32, #tpu.memory_space<hbm>> -> memref<224xf32, #tpu.memory_space<hbm>>
      %dma_start3A_24 = arith.constant 0 : i32
      %dma_start3A_25 = tpu.memref_slice %arg4[%add3A, %dma_start3A_24] : memref<32x224xf32, #tpu.memory_space<hbm>> -> memref<1x224xf32, #tpu.memory_space<hbm>>
      %dma_start3A_26 = tpu.memref_squeeze %dma_start3A_25 : memref<1x224xf32, #tpu.memory_space<hbm>> -> memref<224xf32, #tpu.memory_space<hbm>>
      tpu.enqueue_dma source(%arg7 : memref<224xf32, #tpu.memory_space<vmem>>) target(%dma_start3A_26 : memref<224xf32, #tpu.memory_space<hbm>>) target_semaphore(%run_scoped3A : memref<!tpu.dma_semaphore, #tpu.memory_space<semaphore_mem>>)
      %dma_wait3A_27 = arith.constant 0 : i32
      %dma_wait3A_28 = tpu.memref_slice %arg4[%add3A, %dma_wait3A_27] : memref<32x224xf32, #tpu.memory_space<hbm>> -> memref<1x224xf32, #tpu.memory_space<hbm>>
      %dma_wait3A_29 = tpu.memref_squeeze %dma_wait3A_28 : memref<1x224xf32, #tpu.memory_space<hbm>> -> memref<224xf32, #tpu.memory_space<hbm>>
      %dma_wait3A_30 = arith.constant 0 : i32
      %dma_wait3A_31 = tpu.memref_slice %arg4[%add3A, %dma_wait3A_30] : memref<32x224xf32, #tpu.memory_space<hbm>> -> memref<1x224xf32, #tpu.memory_space<hbm>>
      %dma_wait3A_32 = tpu.memref_squeeze %dma_wait3A_31 : memref<1x224xf32, #tpu.memory_space<hbm>> -> memref<224xf32, #tpu.memory_space<hbm>>
      tpu.wait_dma2 semaphore(%run_scoped3A : memref<!tpu.dma_semaphore, #tpu.memory_space<semaphore_mem>>) src(%arg7 : memref<224xf32, #tpu.memory_space<vmem>>) dst(%dma_wait3A_32 : memref<224xf32, #tpu.memory_space<hbm>>)
      tpu.yield
    }) : () -> ()
    return
  }
}

module attributes {stable_mosaic.version = 14 : i64} {
  func.func @_tc_body(%arg0: memref<32x224xf32, #tpu.memory_space<vmem>>, %arg1: memref<1x100xi32, #tpu.memory_space<vmem>>, %arg2: memref<1x1xf32, #tpu.memory_space<vmem>>) attributes {dimension_semantics = [], scalar_prefetch = 0 : i64, scratch_operands = 0 : i64, tpu.core_type = #tpu.core_type<tc>} {
    %get3A = arith.constant 0 : index
    %get3A_0 = arith.constant 0 : index
    %get3A_1 = vector.load %arg0[%get3A, %get3A_0] : memref<32x224xf32, #tpu.memory_space<vmem>>, vector<32x224xf32>
    %reduce_sum3A = arith.constant dense<0.000000e+00> : vector<224xf32>
    %reduce_sum3A_2 = vector.multi_reduction <add>, %get3A_1, %reduce_sum3A [0] : vector<32x224xf32> to vector<224xf32>
    %broadcast_in_dim3A = vector.shape_cast %reduce_sum3A_2 : vector<224xf32> to vector<1x224xf32>
    %slice3A = vector.extract_strided_slice %broadcast_in_dim3A {offsets = [0, 0], sizes = [1, 100], strides = [1, 1]} : vector<1x224xf32> to vector<1x100xf32>
    %slice3A_3 = vector.extract_strided_slice %broadcast_in_dim3A {offsets = [0, 112], sizes = [1, 100], strides = [1, 1]} : vector<1x224xf32> to vector<1x100xf32>
    %max3A = arith.constant 1.000000e+00 : f32
    %max3A_4 = vector.broadcast %max3A : f32 to vector<1x100xf32>
    %max3A_5 = arith.maximumf %slice3A_3, %max3A_4 : vector<1x100xf32>
    %div3A = arith.divf %slice3A, %max3A_5 : vector<1x100xf32>
    %gt3A = arith.constant 0.000000e+00 : f32
    %gt3A_6 = vector.broadcast %gt3A : f32 to vector<1x100xf32>
    %gt3A_7 = arith.cmpf ogt, %slice3A_3, %gt3A_6 : vector<1x100xf32>
    %convert_element_type3A = arith.extui %gt3A_7 : vector<1x100xi1> to vector<1x100xi32>
    %convert_element_type3A_8 = arith.sitofp %convert_element_type3A : vector<1x100xi32> to vector<1x100xf32>
    %mul3A = arith.mulf %div3A, %convert_element_type3A_8 : vector<1x100xf32>
    %concatenate3A = tpu.concatenate %slice3A, %slice3A_3, %mul3A, %convert_element_type3A_8 in 0 : vector<1x100xf32>, vector<1x100xf32>, vector<1x100xf32>, vector<1x100xf32> -> vector<4x100xf32>
    %get3A_9 = arith.constant 0 : index
    %get3A_10 = arith.constant 0 : index
    %get3A_11 = vector.load %arg1[%get3A_9, %get3A_10] : memref<1x100xi32, #tpu.memory_space<vmem>>, vector<1x100xi32>
    %iota3A = tpu.iota {dimensions = array<i32: 0>} : vector<32x100xi32>
    %eq3A = vector.broadcast %get3A_11 : vector<1x100xi32> to vector<32x100xi32>
    %eq3A_12 = arith.cmpi eq, %eq3A, %iota3A : vector<32x100xi32>
    %convert_element_type3A_13 = arith.extui %eq3A_12 : vector<32x100xi1> to vector<32x100xi32>
    %convert_element_type3A_14 = arith.sitofp %convert_element_type3A_13 : vector<32x100xi32> to vector<32x100xf32>
    %dot_general3A = arith.constant dense<0.000000e+00> : vector<4x32xf32>
    %dot_general3A_15 = tpu.matmul %concatenate3A, %convert_element_type3A_14, %dot_general3A {dimension_numbers = #tpu.dot_dimension_numbers<[1], [1], [0], [0], [0, 0, 1, 0], [], []>, transpose_lhs_hint = false} : vector<4x100xf32>, vector<32x100xf32>, vector<4x32xf32> -> vector<4x32xf32>
    %slice3A_16 = vector.extract_strided_slice %dot_general3A_15 {offsets = [0, 0], sizes = [1, 32], strides = [1, 1]} : vector<4x32xf32> to vector<1x32xf32>
    %slice3A_17 = vector.extract_strided_slice %dot_general3A_15 {offsets = [1, 0], sizes = [1, 32], strides = [1, 1]} : vector<4x32xf32> to vector<1x32xf32>
    %slice3A_18 = vector.extract_strided_slice %dot_general3A_15 {offsets = [2, 0], sizes = [1, 32], strides = [1, 1]} : vector<4x32xf32> to vector<1x32xf32>
    %slice3A_19 = vector.extract_strided_slice %dot_general3A_15 {offsets = [3, 0], sizes = [1, 32], strides = [1, 1]} : vector<4x32xf32> to vector<1x32xf32>
    %max3A_20 = arith.constant 1.000000e+00 : f32
    %max3A_21 = vector.broadcast %max3A_20 : f32 to vector<1x32xf32>
    %max3A_22 = arith.maximumf %slice3A_17, %max3A_21 : vector<1x32xf32>
    %div3A_23 = arith.divf %slice3A_16, %max3A_22 : vector<1x32xf32>
    %max3A_24 = arith.constant 1.000000e+00 : f32
    %max3A_25 = vector.broadcast %max3A_24 : f32 to vector<1x32xf32>
    %max3A_26 = arith.maximumf %slice3A_19, %max3A_25 : vector<1x32xf32>
    %div3A_27 = arith.divf %slice3A_18, %max3A_26 : vector<1x32xf32>
    %gt3A_28 = arith.constant 0.000000e+00 : f32
    %gt3A_29 = vector.broadcast %gt3A_28 : f32 to vector<1x32xf32>
    %gt3A_30 = arith.cmpf ogt, %slice3A_17, %gt3A_29 : vector<1x32xf32>
    %gt3A_31 = arith.constant 0.000000e+00 : f32
    %gt3A_32 = vector.broadcast %gt3A_31 : f32 to vector<1x32xf32>
    %gt3A_33 = arith.cmpf ogt, %slice3A_19, %gt3A_32 : vector<1x32xf32>
    %and3A = arith.andi %gt3A_30, %gt3A_33 : vector<1x32xi1>
    %convert_element_type3A_34 = arith.extui %and3A : vector<1x32xi1> to vector<1x32xi32>
    %convert_element_type3A_35 = arith.sitofp %convert_element_type3A_34 : vector<1x32xi32> to vector<1x32xf32>
    %sub3A = arith.subf %div3A_23, %div3A_27 : vector<1x32xf32>
    %add3A = arith.constant 3.000000e-01 : f32
    %add3A_36 = vector.broadcast %add3A : f32 to vector<1x32xf32>
    %add3A_37 = arith.addf %sub3A, %add3A_36 : vector<1x32xf32>
    %max3A_38 = arith.constant 0.000000e+00 : f32
    %max3A_39 = vector.broadcast %max3A_38 : f32 to vector<1x32xf32>
    %max3A_40 = arith.maximumf %add3A_37, %max3A_39 : vector<1x32xf32>
    %integer_pow3A = arith.mulf %max3A_40, %max3A_40 : vector<1x32xf32>
    %reduce_sum3A_41 = vector.shape_cast %convert_element_type3A_35 : vector<1x32xf32> to vector<1x1x32xf32>
    %reduce_sum3A_42 = arith.constant dense<0.000000e+00> : vector<1xf32>
    %reduce_sum3A_43 = vector.multi_reduction <add>, %reduce_sum3A_41, %reduce_sum3A_42 [1, 2] : vector<1x1x32xf32> to vector<1xf32>
    %reduce_sum3A_44 = vector.shape_cast %reduce_sum3A_43 : vector<1xf32> to vector<1x1x1xf32>
    %reduce_sum3A_45 = vector.extract %reduce_sum3A_44[0, 0, 0] : f32 from vector<1x1x1xf32>
    %gt3A_46 = arith.constant 0.000000e+00 : f32
    %gt3A_47 = arith.cmpf ogt, %reduce_sum3A_45, %gt3A_46 : f32
    %mul3A_48 = arith.mulf %integer_pow3A, %convert_element_type3A_35 : vector<1x32xf32>
    %reduce_sum3A_49 = vector.shape_cast %mul3A_48 : vector<1x32xf32> to vector<1x1x32xf32>
    %reduce_sum3A_50 = arith.constant dense<0.000000e+00> : vector<1xf32>
    %reduce_sum3A_51 = vector.multi_reduction <add>, %reduce_sum3A_49, %reduce_sum3A_50 [1, 2] : vector<1x1x32xf32> to vector<1xf32>
    %reduce_sum3A_52 = vector.shape_cast %reduce_sum3A_51 : vector<1xf32> to vector<1x1x1xf32>
    %reduce_sum3A_53 = vector.extract %reduce_sum3A_52[0, 0, 0] : f32 from vector<1x1x1xf32>
    %max3A_54 = arith.constant 1.000000e+00 : f32
    %max3A_55 = arith.maximumf %reduce_sum3A_45, %max3A_54 : f32
    %div3A_56 = arith.divf %reduce_sum3A_53, %max3A_55 : f32
    %jit3A = arith.constant 0.000000e+00 : f32
    %select_n3A = arith.select %gt3A_47, %div3A_56, %jit3A : f32
    %reshape3A = vector.broadcast %select_n3A : f32 to vector<1x1xf32>
    %swap3A = arith.constant 0 : index
    %swap3A_57 = arith.constant 0 : index
    %swap3A_58 = vector.load %arg2[%swap3A, %swap3A_57] : memref<1x1xf32, #tpu.memory_space<vmem>>, vector<1x1xf32>
    tpu.vector_store %arg2[%swap3A, %swap3A_57], %reshape3A {strides = array<i32>} : memref<1x1xf32, #tpu.memory_space<vmem>>, vector<1x1xf32>,
    return
  }
}

</mosaic_0001>

<sc_bundles>
// kernel: kernel.4.cloned.1.call-start
scs
__scs_entry_jumppad:
0x0: {  	(pc) =	sbr.rel $0x88, $3  }
0x1: {  	(tag) =	ssettag $0x0;
	lr =	simm.s32 $0x1  }
0x2: {  	[smem:$0x3F9E] =	sst lr;
	_ =	strace $0xD0000000  }
0x3: {  	_ = 	snop  }
0x4: {  	_ = 	snop  }
0x5: {  	_ = 	snop  }
0x6: {  	_ = 	snop  }
0x7: {  	_ = 	snop  }
__scs_overlays_trampoline_lowered:
0x8: {  	[smem:$0x3FAD] =	sst s0  }
0x9: {  	[smem:$0x3FAE] =	sst s1  }
0xa: {  	[smem:$0x3FAF] =	sst s2  }
0xb: {  	[smem:$0x3FB0] =	sst s3  }
0xc: {  	[smem:$0x3FB1] =	sst s4  }
0xd: {  	[smem:$0x3FB2] =	sst s5  }
0xe: {  	[smem:$0x3FB3] =	sst s6  }
0xf: {  	[smem:$0x3FB4] =	sst s7  }
0x10: {  	[smem:$0x3FB5] =	sst s8  }
0x11: {  	[smem:$0x3FB6] =	sst s9;
	s0 =	simm.s32 @!p0 $0x0  }
0x12: {  	s1 =	sld [smem:$0x3F9C];
	s0 =	simm.s32 @p0 $0x1  }
0x13: {  	[smem:$0x3FB7] =	sst s0;
	s0 =	simm.s32 @!p1 $0x0  }
0x14: {  	s2 =	sld [smem:$0x3F9B];
	s0 =	simm.s32 @p1 $0x1  }
0x15: {  	[smem:$0x3FB8] =	sst s0;
	s0 =	simm.s32 @!p2 $0x0  }
0x16: {  	s3 =	sld [smem:$0x3FDB];
	s0 =	simm.s32 @p2 $0x1  }
0x17: {  	s4 =	simm.s32 $0x1BF5;
	[smem:$0x3FBA] =	sst s0  }
0x18: {  	s0 =	sld [smem:$0x3F9D];
	_ =	swait.ge [sflag:s4], $0x0  }
0x19: {  	s7 =	sld [smem:$0x3F9E]  }
0x1a: {  	s8 =	sadd.s32 $0xFFFFE003, lr  }
0x1b: {  	s9 =	sadd.s32 $0xFFFFFEF7, lr;
	s5 =	simm.s32 $0xFFFFFFFF;
	p2 =	slt.u32 s8, $0xFFFFF086  }
0x1c: {  	p1 =	slt.u32 s9, $0xF7A;
	s5 =	simm.s32 @!p2 $0x0  }
0x1d: {  	s5 =	simm.s32 @p1 $0x1;
	p0 =	seq.s32 s7, s2  }
0x1e: {  	s7 =	smul.u32 @!p0 $0xF7A, s2;
	p2 =	seq.s32 @!p0 s5, $0x0  }
0x1f: {  	s9 =	smul.u32 $0xF7A, s1;
	s8 =	simm.s32 @!p0 $0x1BF5;
	p2 =	por !p2, p0  }
0x20: {  	[sflag:s8] =	ssyncset.s32 @!p0 $0xFFFFF086;
	s6 =	sadd.s32 @!p0 s3, s7;
	s7 =	simm.s32 @!p0 $0x108  }
0x21: {  	s3 =	sadd.s32 s3, s9;
	s6 =	sadd.s32 @!p0 $0x88, s6;
	s7 =	simm.s32 @p2 $0x1082  }
0x22: {  	[simem:s7], [sflag:s8] =	dma.local @!p0 [hbm:s6], $0xF7A  }
0x23: {  	s9 =	sor.u32 $0xD0000000, s2;
	s6 =	simm.s32 $0x108;
	_ =	swait.ge @!p0 [sflag:s8], $0x0  }
0x24: {  	s3 =	sadd.s32 $0x88, s3;
	s6 =	simm.s32 @!p1 $0x1082;
	[sflag:s4] =	ssyncset.s32 $0xFFFFF086  }
0x25: {  	[simem:s6], [sflag:s4] =	dma.local [hbm:s3], $0xF7A  }
0x26: {  	[smem:$0x3F9E] =	sst s1;
	(tag) =	ssettag s2;
	_ =	strace s9  }
0x27: {  	s1 =	sld [smem:$0x3FAE]  }
0x28: {  	s2 =	sld [smem:$0x3FAF]  }
0x29: {  	s4 =	sld [smem:$0x3FB1]  }
0x2a: {  	p0 =	seq.s32 s5, $0x0;
	s5 =	sld [smem:$0x3FB2]  }
0x2b: {  	s6 =	sld [smem:$0x3FB3]  }
0x2c: {  	s7 =	sld [smem:$0x3FB4]  }
0x2d: {  	s3 =	simm.s32 $0x108;
	s8 =	sld [smem:$0x3FB5]  }
0x2e: {  	s3 =	simm.s32 @!p0 $0x1082;
	s9 =	sld [smem:$0x3FB6]  }
0x2f: {  	lr =	sadd.s32 s0, s3;
	s0 =	sld [smem:$0x3FAD]  }
0x30: {  	s3 =	sld [smem:$0x3FB0]  }
0x31: {  	[smem:$0x3FB9] =	sst s10  }
0x32: {  	s10 =	sld [smem:$0x3FB7];
	_ =	sdelay $0x3  }
0x33: {  	p0 =	seq.s32 s10, $0x1;
	s10 =	sld [smem:$0x3FB9];
	_ =	sdelay $0x3  }
0x34: {  	[smem:$0x3FB9] =	sst s10  }
0x35: {  	s10 =	sld [smem:$0x3FB8];
	_ =	sdelay $0x3  }
0x36: {  	p1 =	seq.s32 s10, $0x1;
	s10 =	sld [smem:$0x3FB9];
	_ =	sdelay $0x3  }
0x37: {  	[smem:$0x3FB9] =	sst s10  }
0x38: {  	s10 =	sld [smem:$0x3FBA]  }
0x39: {  	_ = 	snop;
	(pc) =	sbr.ind lr, $3  }
0x3a: {  	_ = 	snop  }
0x3b: {  	_ = 	snop  }
0x3c: {  	p2 =	seq.s32 s10, $0x1;
	s10 =	sld [smem:$0x3FB9]  }
0x3d: {  	_ =	shalt  }
0x3e: {  	_ =	shalt  }
0x3f: {  	_ =	shalt  }
0x40: {  	_ =	shalt  }
0x41: {  	_ =	shalt  }
0x42: {  	_ =	shalt  }
0x43: {  	_ =	shalt  }
0x44: {  	_ =	shalt  }
0x45: {  	_ =	shalt  }
0x46: {  	_ =	shalt  }
0x47: {  	_ =	shalt  }
0x48: {  	_ =	shalt  }
0x49: {  	_ =	shalt  }
0x4a: {  	_ =	shalt  }
0x4b: {  	_ =	shalt  }
0x4c: {  	_ =	shalt  }
0x4d: {  	_ =	shalt  }
0x4e: {  	_ =	shalt  }
0x4f: {  	_ =	shalt  }
0x50: {  	_ =	shalt  }
0x51: {  	_ =	shalt  }
0x52: {  	_ =	shalt  }
0x53: {  	_ =	shalt  }
0x54: {  	_ =	shalt  }
0x55: {  	_ =	shalt  }
0x56: {  	_ =	shalt  }
0x57: {  	_ =	shalt  }
0x58: {  	_ =	shalt  }
0x59: {  	_ =	shalt  }
0x5a: {  	_ =	shalt  }
0x5b: {  	_ =	shalt  }
0x5c: {  	_ =	shalt  }
0x5d: {  	_ =	shalt  }
0x5e: {  	_ =	shalt  }
0x5f: {  	_ =	shalt  }
0x60: {  	_ =	shalt  }
0x61: {  	_ =	shalt  }
0x62: {  	_ =	shalt  }
0x63: {  	_ =	shalt  }
0x64: {  	_ =	shalt  }
0x65: {  	_ =	shalt  }
0x66: {  	_ =	shalt  }
0x67: {  	_ =	shalt  }
0x68: {  	_ =	shalt  }
0x69: {  	_ =	shalt  }
0x6a: {  	_ =	shalt  }
0x6b: {  	_ =	shalt  }
0x6c: {  	_ =	shalt  }
0x6d: {  	_ =	shalt  }
0x6e: {  	_ =	shalt  }
0x6f: {  	_ =	shalt  }
0x70: {  	_ =	shalt  }
0x71: {  	_ =	shalt  }
0x72: {  	_ =	shalt  }
0x73: {  	_ =	shalt  }
0x74: {  	_ =	shalt  }
0x75: {  	_ =	shalt  }
0x76: {  	_ =	shalt  }
0x77: {  	_ =	shalt  }
0x78: {  	_ =	shalt  }
0x79: {  	_ =	shalt  }
0x7a: {  	_ =	shalt  }
0x7b: {  	_ =	shalt  }
0x7c: {  	_ =	shalt  }
0x7d: {  	_ =	shalt  }
0x7e: {  	_ =	shalt  }
0x7f: {  	_ =	shalt  }
0x80: {  	_ =	shalt  }
0x81: {  	_ =	shalt  }
0x82: {  	_ =	shalt  }
0x83: {  	_ =	shalt  }
0x84: {  	_ =	shalt  }
0x85: {  	_ =	shalt  }
0x86: {  	_ =	shalt  }
0x87: {  	_ =	shalt  }
.Lfunc_end0:
.L_simem_size_0:
called_computation_lowered:
.L_overlay_start_0:
0x88: {  	s2 =	sld [smem:$0x3FD9]  }
0x89: {  	s3 =	sld [smem:$0x3FFE];
	_ =	sdelay $0x1  }
0x8a: {  	s1 =	srdreg.scid  }
0x8b: {  	s0 =	sand.u32 $0x1, s1  }
0x8c: {  	s17 =	sshll.u32 s0, $0xA;
	s2 =	sadd.s32 s3, s2  }
0x8d: {  	s2 =	sadd.s32 s2, s17  }
0x8e: {  	[smem:$0x3FC5] =	sst s2  }
0x8f: {  	_ = 	snop  }
0x90: {  	s2 =	sld [smem:$0x3FC9]  }
0x91: {  	s18 =	sld [smem:$0x3FC8];
	(tm) =	ssettm $0x1  }
0x92: {  	s4 =	sld [smem:$0x3FFB];
	_ =	sdelay $0x3  }
0x93: {  	_ =	strace s4  }
0x94: {  	s4 =	sld [smem:$0x3FFC];
	_ =	sdelay $0x3  }
0x95: {  	_ =	strace s4  }
0x96: {  	s4 =	sld [smem:$0x3FFD];
	_ =	sdelay $0x3  }
0x97: {  	_ =	strace s4  }
0x98: {  	_ =	strace $0x8FFFFFFF  }
0x99: {  	s19 =	sld [smem:$0x3FDB];
	_ =	sdelay $0x1  }
0x9a: {  	s5 =	simm.s32 $_scs_section_size  }
0x9b: {  	s6 =	simm.s32 $_size__tile_overlayer_lowered;
	s7 =	simm.s32 $_tile_overlayer_lowered  }
0x9c: {  	s22 =	simm.s32 $0x1BFF;
	s21 =	sshll.u32 s7, $0x1;
	s4 =	sadd.s32 s5, s19  }
0x9d: {  	s8 =	simm.s32 $0x0;
	s20 =	sshll.u32 s6, $0x1;
	s6 =	sadd.s32 s21, s4  }
0x9e: {  	[timem:s8], [sflag:s22] =	dma.local [hbm:s6], s20  }
0x9f: {  	_ =	swait.ge [sflag:s22], s20  }
0xa0: {  	s5 =	ssub.s32 $0x0, s20;
	[sflag:s22] =	ssyncset.done $0x0  }
0xa1: {  	[sflag:s22] =	ssyncadd.s32 s5;
	_ =	sdelay $0x1  }
0xa2: {  	s23 =	simm.s32 $0x1B8B  }
0xa3: {  	_ =	swait.ge [sflag:s23], $0x1  }
0xa4: {  	[sflag:s23] =	ssyncset.done $0x0  }
0xa5: {  	s25 =	simm.s32 $0x1B8E;
	s24 =	sld [smem:$0x3FFE];
	[sflag:s23] =	ssyncadd.s32 $0xFFFFFFFF  }
0xa6: {  	s26 =	simm.s32 $execute0_lowered;
	[smem:$0x3FD2] =	sst s25  }
0xa7: {  	s6 =	sshll.u32 s26, $0x1;
	_ =	strace $0x80000046;
	[dreg:$0x1] =	wrdreg $0xFFFFFFFF  }
0xa8: {  	s28 =	simm.s32 $_size_execute0_lowered;
	s4 =	sadd.s32 s4, s6;
	[dreg:$0x0] =	wrdreg $0x0  }
0xa9: {  	s6 =	sshll.u32 s28, $0x1;
	[dreg:$0x2] =	wrdreg s4  }
0xaa: {  	[dreg:$0x3] =	wrdreg s6  }
0xab: {  	[dreg:$0x4] =	wrdreg $0xC0  }
0xac: {  	_ =	task [dreg:s8], $0x5FFFF  }
0xad: {  	[dreg:$0x1] =	wrdreg $0xFFFFFFFF  }
0xae: {  	[dreg:$0x0] =	wrdreg $0x60  }
0xaf: {  	[dreg:$0x2] =	wrdreg s2  }
0xb0: {  	[dreg:$0x3] =	wrdreg s18  }
0xb1: {  	[dreg:$0x4] =	wrdreg s24  }
0xb2: {  	[dreg:$0x5] =	wrdreg $0x9  }
0xb3: {  	_ =	task.clear_ibuf [dreg:s8], $0x6FFFF;
	_ =	strace $0x90000046  }
0xb4: {  	s29 =	simm.s32 $0x9;
	_ =	strace $0x80000048  }
0xb5: {  	_ =	swait.ge [sflag:s29], $0x1  }
0xb6: {  	[sflag:s29] =	ssyncadd.s32 $0xFFFFFFFF  }
0xb7: {  	_ =	strace $0x90000048  }
0xb8: {  	_ =	sfence  }
0xb9: {  	s30 =	sld [smem:$0x0];
	_ =	sdelay $0x2  }
0xba: {  	s31 =	sshll.u32 s1, $0xD;
	s1 =	sshrl.u32 s1, $0x2  }
0xbb: {  	s3 =	sand.u32 $0x4000, s31;
	s1 =	sadd.s32 s1, s30  }
0xbc: {  	s0 =	sor.u32 s3, s0;
	s1 =	sshll.u32 s1, $0x11  }
0xbd: {  	s0 =	sor.u32 s1, s0  }
0xbe: {  	s0 =	sadd.s32 $0x8F2B, s0  }
0xbf: {  	[sflag:s0] =	ssyncadd.remote.s32 $0x1  }
0xc0: {  	_ =	sfence.sel $0xFFFF  }
0xc1: {  	[dreg:$0x0] =	wrdreg $0xFFFFFFFF;
	(pc) =	sbr.abs _section_cstart, $3  }
0xc2: {  	[dreg:$0x1] =	wrdreg $0xFFFFFFFF  }
0xc3: {  	_ =	task.clear_ibuf [dreg:s8], $0x2FFFF;
	_ =	strace $0x9FFFFFFF  }
0xc4: {  	(tm) =	ssettm $0x7FFFFFFF  }
0xc5: {  	_ =	shalt  }
tec
execute0_lowered:
.L_overlay_start_1:
0x0: {  	(tag) =	ssettag $0x1  }
0x1: {  	s3 =	rddreg [dreg:$0x0]  }
0x2: {  	s4 =	rddreg [dreg:$0x1]  }
0x3: {  	s5 =	rddreg [dreg:$0x2]  }
0x4: {  	s0 =	rddreg [dreg:$0x3];
	s2 =	simm.s32 $0x0;
	s1 =	stileid.u32  }
0x5: {  	s6 =	srdreg.scid;
	s10 =	simm.s32 $0x400;
	s11 =	simm.s32 $0x80  }
0x6: {  	s12 =	simm.s32 $0x3;
	s13 =	simm.s32 $0x0;
	[smem:$0x7FF] =	sst s2  }
0x7: {  	s7 =	sshll.u32 s1, $0x6;
	s6 =	sand.u32 $0x1, s6;
	s8 =	sshll.u32 s1, $0x1  }
0x8: {  	_ =	strace $0x80000047;
	s7 =	sand.u32 $0x300, s7;
	s9 =	ssub.s32 $0x2, s6  }
0x9: {  	s6 =	sor.u32 s6, s8;
	s5 =	sadd.s32 s7, s5;
	s31 =	sshrl.u32 s9, $0x1  }
0xa: {  	s8 =	sshll.u32 s6, $0x4;
	s6 =	sshll.u32 s6, $0x6;
	s7 =	ssub.s32 s9, s31  }
0xb: {  	s8 =	sand.u32 $0x70, s8;
	s3 =	sadd.s32 s3, s6;
	s4 =	sadd.s32 s4, s6  }
0xc: {  	s9 =	simm.s32 $0x2;
	s5 =	sadd.s32 s8, s5;
	s6 =	smax.u32 s7, $0x1  }
0xd: {  	v0 =	vimm.f32 $0.0e+00;
	v1 =	vimm.f32 $1.000000000e+00;
	s7 =	simm.s32 $0x200;
	s8 =	simm.s32 $0x1;
	s5 =	sadd.s32 $0x800, s5  }
.LBB2_1:
0xe: {  	[tilespmem:s2], [sflag:$0x1] =	stream.linear.gather [hbm4b:s3+s2], $0x200, $0x38;
	[tilespmem:$0x500] =	vst v63  }
0xf: {  	_ = 	snop  }
0x10: {  	[tilespmem:s7], [sflag:$0x2] =	stream.linear.gather [hbm4b:s4+s2], $0x200, $0x38;
	[tilespmem:$0x500] =	vst v63  }
0x11: {  	[tilespmem:$0x400] =	vst v0  }
0x12: {  	[tilespmem:$0x410] =	vst v0  }
0x13: {  	[tilespmem:$0x420] =	vst v0  }
0x14: {  	[tilespmem:$0x430] =	vst v0  }
0x15: {  	[tilespmem:$0x440] =	vst v0  }
0x16: {  	[tilespmem:$0x450] =	vst v0  }
0x17: {  	[tilespmem:$0x460] =	vst v0  }
0x18: {  	[tilespmem:$0x470] =	vst v0  }
0x19: {  	[tilespmem:$0x480] =	vst v0  }
0x1a: {  	[tilespmem:$0x490] =	vst v0  }
0x1b: {  	[tilespmem:$0x4A0] =	vst v0  }
0x1c: {  	[tilespmem:$0x4B0] =	vst v0  }
0x1d: {  	[tilespmem:$0x4C0] =	vst v0  }
0x1e: {  	[tilespmem:$0x4D0] =	vst v0  }
0x1f: {  	_ =	swait.ge [sflag:s8], $0x200  }
0x20: {  	[sflag:s8] =	ssyncset.done $0x0  }
0x21: {  	[sflag:s8] =	ssyncadd.s32 $0xFFFFFE00  }
0x22: {  	_ =	swait.ge [sflag:s9], $0x200  }
0x23: {  	[sflag:s9] =	ssyncset.done $0x0  }
0x24: {  	s14 =	simm.s32 $0x0;
	[sflag:s9] =	ssyncadd.s32 $0xFFFFFE00  }
0x25: {  	s15 =	simm.s32 $0x40;
	v2 =	vld [tilespmem:s14+$0x0]  }
.LBB2_2:
0x26: {  	p0 =	sne.s32 s15, $0x7C0;
	_ =	sdelay $0x3  }
0x27: {  	v2 =	vmax.f32 v2, $1.001000050e+00  }
0x28: {  	v3 =	vmul.f32 v2, v2;
	_ =	sdelay $0x1  }
0x29: {  	v3 =	vadd.f32 $-1.000000000e+00, v3;
	_ =	sdelay $0x1  }
0x2a: {  	v4 =	vshra.s32 v3, $0x1;
	v5 =	vmul.f32 $5.000000000e-01, v3  }
0x2b: {  	v4 =	vsub.s32 $0x5F3759DF, v4  }
0x2c: {  	v6 =	vmul.f32 v4, v5;
	_ =	sdelay $0x1  }
0x2d: {  	v6 =	vmul.f32 v4, v6;
	_ =	sdelay $0x1  }
0x2e: {  	v6 =	vsub.f32 $1.500000000e+00, v6;
	_ =	sdelay $0x1  }
0x2f: {  	v4 =	vmul.f32 v4, v6;
	_ =	sdelay $0x1  }
0x30: {  	v6 =	vmul.f32 v4, v5;
	_ =	sdelay $0x1  }
0x31: {  	v6 =	vmul.f32 v6, v4;
	_ =	sdelay $0x1  }
0x32: {  	v6 =	vsub.f32 $1.500000000e+00, v6;
	_ =	sdelay $0x1  }
0x33: {  	v4 =	vmul.f32 v6, v4;
	_ =	sdelay $0x1  }
0x34: {  	v5 =	vmul.f32 v4, v5;
	_ =	sdelay $0x1  }
0x35: {  	v5 =	vmul.f32 v5, v4;
	_ =	sdelay $0x1  }
0x36: {  	v5 =	vsub.f32 $1.500000000e+00, v5;
	_ =	sdelay $0x1  }
0x37: {  	v4 =	vmul.f32 v5, v4;
	_ =	sdelay $0x1  }
0x38: {  	v3 =	vmul.f32 v4, v3;
	_ =	sdelay $0x1  }
0x39: {  	v2 =	vadd.f32 v3, v2;
	_ =	sdelay $0x1  }
0x3a: {  	v3 =	vand.u32 $0x7FFFFF, v2  }
0x3b: {  	v3 =	vor.u32 $0x3F800000, v3  }
0x3c: {  	v4 =	vadd.f32 $1.000000000e+00, v3;
	_ =	sdelay $0x1  }
0x3d: {  	(erf) = vrcp.f32 v4;
	_ =	sdelay $0x7  }
0x3e: {  	v3 =	vadd.f32 $-1.000000000e+00, v3  }
0x3f: {  	v4 =	vpop (erf)  }
0x40: {  	v3 =	vmul.f32 v4, v3;
	_ =	sdelay $0x1  }
0x41: {  	v4 =	vmul.f32 v3, v3;
	_ =	sdelay $0x1  }
0x42: {  	v5 =	vmul.f32 $1.111111120e-01, v4;
	_ =	sdelay $0x1  }
0x43: {  	v5 =	vadd.f32 $1.428571490e-01, v5;
	_ =	sdelay $0x1  }
0x44: {  	v5 =	vmul.f32 v5, v4;
	_ =	sdelay $0x1  }
0x45: {  	v5 =	vadd.f32 $2.000000030e-01, v5;
	_ =	sdelay $0x1  }
0x46: {  	v5 =	vmul.f32 v5, v4;
	_ =	sdelay $0x1  }
0x47: {  	v5 =	vadd.f32 $3.333333430e-01, v5  }
0x48: {  	v2 =	vshrl.u32 v2, $0x17;
	v6 =	vld [tilespmem:s14+$0x200]  }
0x49: {  	v2 =	vand.u32 $0xFF, v2;
	v4 =	vmul.f32 v5, v4  }
0x4a: {  	v2 =	vadd.s32 $0xFFFFFF81, v2  }
0x4b: {  	v2 =	vcvt.s32.f32 v2;
	v3 =	vadd.f32 v3, v3;
	v4 =	vadd.f32 $1.000000000e+00, v4;
	_ =	sdelay $0x1  }
0x4c: {  	v2 =	vmul.f32 $6.931471820e-01, v2;
	v3 =	vmul.f32 v4, v3;
	v4 =	vadd.s32 $0x70, v6;
	_ =	sdelay $0x1  }
.Ltmp0:
0x4d: {  	v2 =	vadd.f32 v3, v2;
	(pc) =	sbr.rel @p0 .LBB2_2-.Ltmp0, $4  }
0x4e: {  	_ = 	snop  }
0x4f: {  	[tilespmem:v6+s10+$0x0] =	vst.idx.add.f32.msk $0xffff, v2  }
0x50: {  	s14 =	sshra.s32 s15, $0x2;
	[tilespmem:v4+s10+$0x0] =	vst.idx.add.f32.msk $0xffff, v1  }
0x51: {  	s15 =	sadd.s32 $0x40, s15;
	v2 =	vld [tilespmem:s14+$0x0]  }
0x52: {  	_ =	sdelay $0x3  }
0x53: {  	v2 =	vmax.f32 v2, $1.001000050e+00  }
0x54: {  	v3 =	vmul.f32 v2, v2;
	_ =	sdelay $0x1  }
0x55: {  	v3 =	vadd.f32 $-1.000000000e+00, v3;
	_ =	sdelay $0x1  }
0x56: {  	v4 =	vshra.s32 v3, $0x1;
	v5 =	vmul.f32 $5.000000000e-01, v3  }
0x57: {  	v4 =	vsub.s32 $0x5F3759DF, v4  }
0x58: {  	v6 =	vmul.f32 v4, v5;
	_ =	sdelay $0x1  }
0x59: {  	v6 =	vmul.f32 v4, v6;
	_ =	sdelay $0x1  }
0x5a: {  	v6 =	vsub.f32 $1.500000000e+00, v6;
	_ =	sdelay $0x1  }
0x5b: {  	v4 =	vmul.f32 v4, v6;
	_ =	sdelay $0x1  }
0x5c: {  	v6 =	vmul.f32 v4, v5;
	_ =	sdelay $0x1  }
0x5d: {  	v6 =	vmul.f32 v6, v4;
	_ =	sdelay $0x1  }
0x5e: {  	v6 =	vsub.f32 $1.500000000e+00, v6;
	_ =	sdelay $0x1  }
0x5f: {  	v4 =	vmul.f32 v6, v4;
	_ =	sdelay $0x1  }
0x60: {  	v5 =	vmul.f32 v4, v5;
	_ =	sdelay $0x1  }
0x61: {  	v5 =	vmul.f32 v5, v4;
	_ =	sdelay $0x1  }
0x62: {  	v5 =	vsub.f32 $1.500000000e+00, v5;
	_ =	sdelay $0x1  }
0x63: {  	v4 =	vmul.f32 v5, v4;
	_ =	sdelay $0x1  }
0x64: {  	v3 =	vmul.f32 v4, v3;
	_ =	sdelay $0x1  }
0x65: {  	v2 =	vadd.f32 v3, v2;
	_ =	sdelay $0x1  }
0x66: {  	v3 =	vand.u32 $0x7FFFFF, v2  }
0x67: {  	v3 =	vor.u32 $0x3F800000, v3  }
0x68: {  	v60 =	vadd.f32 $1.000000000e+00, v3;
	_ =	sdelay $0x1  }
0x69: {  	(erf) = vrcp.f32 v60;
	_ =	sdelay $0x7  }
0x6a: {  	v3 =	vadd.f32 $-1.000000000e+00, v3  }
0x6b: {  	v4 =	vpop (erf)  }
0x6c: {  	v3 =	vmul.f32 v4, v3;
	_ =	sdelay $0x1  }
0x6d: {  	v4 =	vmul.f32 v3, v3;
	_ =	sdelay $0x1  }
0x6e: {  	v61 =	vmul.f32 $1.111111120e-01, v4;
	_ =	sdelay $0x1  }
0x6f: {  	v5 =	vadd.f32 $1.428571490e-01, v61;
	_ =	sdelay $0x1  }
0x70: {  	v5 =	vmul.f32 v5, v4;
	_ =	sdelay $0x1  }
0x71: {  	v5 =	vadd.f32 $2.000000030e-01, v5;
	_ =	sdelay $0x1  }
0x72: {  	v5 =	vmul.f32 v5, v4;
	_ =	sdelay $0x1  }
0x73: {  	v5 =	vadd.f32 $3.333333430e-01, v5  }
0x74: {  	v62 =	vld [tilespmem:s14+$0x200];
	v2 =	vshrl.u32 v2, $0x17  }
0x75: {  	v2 =	vand.u32 $0xFF, v2;
	v4 =	vmul.f32 v5, v4  }
0x76: {  	v2 =	vadd.s32 $0xFFFFFF81, v2  }
0x77: {  	v2 =	vcvt.s32.f32 v2;
	v3 =	vadd.f32 v3, v3;
	v4 =	vadd.f32 $1.000000000e+00, v4;
	_ =	sdelay $0x1  }
0x78: {  	v63 =	vadd.s32 $0x70, v62;
	v2 =	vmul.f32 $6.931471820e-01, v2;
	v3 =	vmul.f32 v4, v3;
	_ =	sdelay $0x1  }
0x79: {  	v2 =	vadd.f32 v3, v2  }
0x7a: {  	s13 =	sadd.s32 $0x1, s13  }
0x7b: {  	p0 =	sne.s32 s13, s6;
	[tilespmem:v62+s10+$0x0] =	vst.idx.add.f32.msk $0xffff, v2  }
.Ltmp1:
0x7c: {  	[tilespmem:v63+s10+$0x0] =	vst.idx.add.f32.msk $0xffff, v1;
	(pc) =	sbr.rel @p0 .LBB2_1-.Ltmp1, $4  }
0x7d: {  	[hbm4b:s5+s11] =	stream.strided.scatter [tilespmem:s10], [sflag:$0x3], $0x100, s10, s11, $0x38;
	[tilespmem:$0x500] =	vst v63  }
0x7e: {  	_ =	swait.ge [sflag:s12], $0x100  }
0x7f: {  	[sflag:s12] =	ssyncset.done $0x0  }
0x80: {  	[sflag:s12] =	ssyncadd.s32 $0xFFFFFF00  }
0x81: {  	_ =	sfence.sel $0x180000  }
0x82: {  	[bflag:$0x0] =	sbarrier.arrive $0xFFFF  }
0x83: {  	p0 =	sne.s32 s1, $0x0;
	_ =	strace $0x90000047  }
0x84: {  	s0 =	sadd.s32 @!p0 $0x100000, s0;
	[bflag:$0x2] =	sbarrier.arrive $0xFFFF  }
0x85: {  	[sflag:s0] =	ssyncadd.tile.s32 @!p0 $0x1;
	_ =	shalt  }
.Lfunc_end2:
_tile_overlayer_lowered:
.L_overlay_start_2:
0x86: {  	(tag) =	ssettag $0x2  }
0x87: {  	s0 =	rddreg [dreg:$0x0];
	s2 =	stileid.u32  }
0x88: {  	s1 =	rddreg [dreg:$0x1];
	p0 =	sne.s32 s2, $0x0  }
0x89: {  	s3 =	rddreg [dreg:$0x2];
	[bflag:$0x3] =	sbarrier.arrive $0xFFFF;
	s2 =	simm.s32 @!p0 $0x1C03  }
0x8a: {  	[timem:s3], [sflag:s2] =	dma.local @!p0 [hbm:s0], s1  }
0x8b: {  	s0 =	simm.s32 @!p0 $0x3  }
0x8c: {  	_ =	swait.ge @!p0 [sflag:s0], s1  }
0x8d: {  	s1 =	ssub.s32 @!p0 $0x0, s1;
	[sflag:s0] =	ssyncset.done @!p0 $0x0  }
0x8e: {  	[sflag:s0] =	ssyncadd.s32 @!p0 s1  }
0x8f: {  	[bflag:$0x3] =	sbarrier.arrive $0xFFFF  }
0x90: {  	_ =	shalt  }

</sc_bundles>
